<compile_context>
chip_gen: v7x
topology: tpu7x:2x2x1
jax: 0.10.2.dev20260603
libtpu: 0.0.44.dev20260713+nightly
codegen_flags: <defaults>
</compile_context>

<pallas_src>
import functools

import jax
import jax.numpy as jnp
import numpy as np
from jax import lax
from jax.experimental import pallas as pl
from jax.experimental.pallas import tpu as pltpu
from jax.experimental.pallas import tpu_sc as plsc

_AA = "FFLLSSSSYY**CC*WLLLLPPPPHHQQRRRRIIIMTTTTNNKKSSRRVVVVAAAADDEEGGGG"
_B, _L = 64, 2048
_NBINS = 65
_NB = 80
_NL = 16
_NC, _NS = 2, 16
_RPW = _B // (_NC * _NS)
_NCH = _NB // _NL
_UNROLL = 16
_NSP = 5


def _codon_tables():
    letters = sorted(set(_AA))
    aa_of = {a: 3 + i for i, a in enumerate(letters)}
    c2a = np.zeros(_NBINS, np.int32)
    for i, a in enumerate(_AA):
        c2a[i + 1] = aa_of[a]
    syn = np.zeros((1, _NB), np.float32)
    for c in range(1, _NBINS):
        syn[0, c] = _AA.count(_AA[c - 1])
    m = np.zeros((_NB, _NB), np.float32)
    for i in range(1, _NBINS):
        for j in range(1, _NBINS):
            if c2a[i] == c2a[j]:
                m[i, j] = 1.0
    return m, syn


_GMAT, _SYN = _codon_tables()


def _sc_hist(packed):
    mesh = plsc.VectorSubcoreMesh(
        core_axis_name="c", subcore_axis_name="s",
        num_cores=_NC, num_subcores=_NS)

    @functools.partial(
        pl.kernel,
        out_type=[jax.ShapeDtypeStruct((_B, _NB), jnp.float32),
                  jax.ShapeDtypeStruct((_B, _NB), jnp.float32)],
        mesh=mesh,
        compiler_params=pltpu.CompilerParams(
            needs_layout_passes=False,
            disable_bounds_checks=True,
            skip_device_barrier=True,
        ),
        scratch_types=[
            pltpu.VMEM((_RPW, _L), jnp.int32),
            pltpu.VMEM((_RPW, _NB), jnp.float32),
            pltpu.VMEM((_RPW, _NB), jnp.float32),
            pltpu.SemaphoreType.DMA,
            pltpu.SemaphoreType.DMA,
        ],
    )
    def body(packed_hbm, outt_hbm, outp_hbm,
             ids_v, acc_t, acc_p, sem_in, sem_out):
        cid = lax.axis_index("c")
        sid = lax.axis_index("s")
        wid = sid * _NC + cid
        r0 = wid * _RPW

        in_copy = pltpu.async_copy(
            packed_hbm.at[pl.ds(r0, _RPW)], ids_v, sem_in)

        zero16 = jnp.zeros((_NL,), jnp.float32)
        one16 = jnp.ones((_NL,), jnp.float32)
        rows16 = [jnp.full((_NL,), rr, jnp.int32) for rr in range(_RPW)]

        for rr in range(_RPW):
            for j in range(_NCH):
                acc_t[rr, pl.ds(j * _NL, _NL)] = zero16
                acc_p[rr, pl.ds(j * _NL, _NL)] = zero16

        in_copy.wait()

        @plsc.parallel_loop(0, _L // _NL, unroll=_UNROLL)
        def _scatter_step(j):
            o = j * _NL
            for rr in range(_RPW):
                w = ids_v[rr, pl.ds(o, _NL)]
                it = jnp.minimum(w & 0xFF, _NB - 1)
                ip = jnp.minimum((w >> 8) & 0xFF, _NB - 1)
                mb = (w >> 16) > 0
                plsc.addupdate_scatter(acc_t, [rows16[rr], it], one16,
                                       mask=mb)
                plsc.addupdate_scatter(acc_p, [rows16[rr], ip], one16,
                                       mask=mb)

        out_copies = [
            pltpu.async_copy(acc_t, outt_hbm.at[pl.ds(r0, _RPW)], sem_out),
            pltpu.async_copy(acc_p, outp_hbm.at[pl.ds(r0, _RPW)], sem_out),
        ]
        for c in out_copies:
            c.wait()

    return body(packed)


def _tc_tail(counts_t, counts_p, species2d, ref_dist, gmat, syn):
    def body(ct_ref, cp_ref, sp_ref, ref_ref, gm_ref, syn_ref, o_ref):
        ct = ct_ref[...]
        cp = cp_ref[...]
        gm = gm_ref[...]
        syn_row = syn_ref[...]
        tot_t = jax.lax.dot_general(
            ct, gm, (((1,), (0,)), ((), ())),
            preferred_element_type=jnp.float32)
        tot_p = jax.lax.dot_general(
            cp, gm, (((1,), (0,)), ((), ())),
            preferred_element_type=jnp.float32)
        rscu_t = ct * syn_row / jnp.maximum(tot_t, 1.0)
        rscu_p = cp * syn_row / jnp.maximum(tot_p, 1.0)

        sp = sp_ref[...]
        ref_sel = jnp.zeros((_B, _NB), jnp.float32)
        for s in range(_NSP):
            row = ref_ref[pl.ds(s, 1), :]
            ref_sel = ref_sel + jnp.where(sp == s, row, 0.0)

        comb = 0.7 * rscu_t + 0.3 * ref_sel

        lane = lax.broadcasted_iota(jnp.int32, (_B, _NB), 1) < _NBINS
        pm = jnp.where(lane, rscu_p + 1e-8, 0.0)
        tm = jnp.where(lane, comb + 1e-8, 0.0)
        pd = pm / jnp.sum(pm, axis=1, keepdims=True)
        td = tm / jnp.sum(tm, axis=1, keepdims=True)
        ratio = jnp.where(lane, td / pd, 1.0)
        o_ref[...] = jnp.sum(td * jnp.log(ratio), axis=1)

    return pl.pallas_call(
        body,
        out_shape=jax.ShapeDtypeStruct((_B,), jnp.float32),
    )(counts_t, counts_p, species2d, ref_dist, gmat, syn)


def kernel(pred_codon_ids, target_codon_ids, aa_ids, species_ids, mask,
           ref_distributions):
    del aa_ids
    packed = (target_codon_ids | (pred_codon_ids << 8)
              | (mask.astype(jnp.int32) << 16))
    counts_t, counts_p = _sc_hist(packed)
    sp2d = species_ids.reshape(_B, 1)
    ref_pad = jnp.pad(ref_distributions, ((0, 0), (0, _NB - _NBINS)))
    return _tc_tail(counts_t, counts_p, sp2d, ref_pad,
                    jnp.asarray(_GMAT), jnp.asarray(_SYN))

# --- scband reference (transcript-rebuilt; emitter-appended) ---
"""Pipeline reference for scband-rscucalculator-19533511262776 (READ-ONLY COPY).

The authoritative reference and input builder live on the scoring server;
editing this copy changes nothing except your own understanding.
"""

import jax, jax.numpy as jnp
import numpy as np

AA_STR = "FFLLSSSSYY**CC*WLLLLPPPPHHQQRRRRIIIMTTTTNNKKSSRRVVVVAAAADDEEGGGG"
B, L = 64, 2048
N_CODONS, N_SPECIES = 65, 5

def _build_code():
    letters = sorted(set(AA_STR))
    aa_id = {a: 3 + i for i, a in enumerate(letters)}
    n_aa = 3 + len(letters)
    codon_to_aa = np.zeros(N_CODONS, dtype=np.int32)
    for i, a in enumerate(AA_STR):
        codon_to_aa[i + 1] = aa_id[a]
    syn_count = np.zeros(n_aa, dtype=np.int32)
    for a in letters:
        syn_count[aa_id[a]] = AA_STR.count(a)
    aa_codons = np.zeros((n_aa, 6), dtype=np.int32)
    aa_ncod = np.zeros(n_aa, dtype=np.int32)
    for c in range(1, N_CODONS):
        a = codon_to_aa[c]
        aa_codons[a, aa_ncod[a]] = c
        aa_ncod[a] += 1
    aa_ncod = np.maximum(aa_ncod, 1)
    return codon_to_aa, syn_count, aa_codons, aa_ncod, n_aa

CODON_TO_AA, SYN_COUNT, AA_CODONS, AA_NCOD, N_AA = _build_code()

def setup_inputs(seed: int = 0):
    key = jax.random.key(seed)
    k1, k2, k3, k4, k5 = jax.random.split(key, 5)
    target = jax.random.randint(k1, (B, L), 1, N_CODONS, dtype=jnp.int32)
    c2a = jnp.asarray(CODON_TO_AA)
    aa_ids = c2a[target]
    r = jax.random.randint(k2, (B, L), 0, 6, dtype=jnp.int32)
    ncod = jnp.asarray(AA_NCOD)[aa_ids]
    pred = jnp.asarray(AA_CODONS)[aa_ids, r % ncod]
    mask = jax.random.bernoulli(k3, 0.9, (B, L))
    species_ids = jax.random.randint(k4, (B,), 0, N_SPECIES, dtype=jnp.int32)
    ref = jax.random.uniform(k5, (N_SPECIES, N_CODONS), minval=0.0, maxval=2.0)
    ref = ref.at[:, 0].set(0.0)
    return {"pred_codon_ids": pred, "target_codon_ids": target, "aa_ids": aa_ids,
            "species_ids": species_ids, "mask": mask, "ref_distributions": ref}

def _rscu(codon_ids, aa_ids, mask):
    cids = jnp.where(mask, codon_ids, 0)
    counts = jax.vmap(lambda v: jnp.bincount(v, length=N_CODONS))(cids)
    counts = counts.at[:, 0].set(0)
    obs_ids = jnp.where(mask & (aa_ids > 2) & (codon_ids != 0), codon_ids, 0)
    obs_counts = jax.vmap(lambda v: jnp.bincount(v, length=N_CODONS))(obs_ids)
    obs = (obs_counts > 0).at[:, 0].set(False)
    c2a = jnp.asarray(CODON_TO_AA)
    contrib = jnp.where(obs, counts, 0)
    totals = jax.vmap(lambda row: jax.ops.segment_sum(row, c2a, num_segments=N_AA))(contrib)
    tot_c = totals[:, c2a].astype(jnp.float32)
    syn_c = jnp.asarray(SYN_COUNT)[c2a].astype(jnp.float32)
    rscu = jnp.where(obs & (tot_c > 0), counts.astype(jnp.float32) * syn_c / jnp.maximum(tot_c, 1.0), 0.0)
    return rscu

def reference(pred_codon_ids, target_codon_ids, aa_ids, species_ids, mask, ref_distributions):
    pred_rscu = _rscu(pred_codon_ids, aa_ids, mask)
    target_rscu = _rscu(target_codon_ids, aa_ids, mask)
    valid_sp = (species_ids >= 0) & (species_ids < N_SPECIES)
    sp = jnp.clip(species_ids, 0, N_SPECIES - 1)
    ref_rscu = jnp.where(valid_sp[:, None], ref_distributions[sp], 0.0)
    combined = 0.7 * target_rscu + 0.3 * ref_rscu
    p = pred_rscu + 1e-08
    t = combined + 1e-08
    pd = p / p.sum(axis=1, keepdims=True)
    td = t / t.sum(axis=1, keepdims=True)
    kl_div = (td * jnp.log(td / pd)).sum(axis=1)
    return kl_div

if __name__ == "__main__":
    import jax
    _d = setup_inputs()
    print(jax.jit(kernel)(*tuple(_d.values())))

</pallas_src>

<mosaic_0001>
#map = affine_map<(d0, d1) -> (0, 0)>
module attributes {stable_mosaic.version = 14 : i64} {
  func.func @body(%arg0: i32, %arg1: i32, %arg2: memref<64x2048xi32, #tpu.memory_space<hbm>>, %arg3: memref<64x80xf32, #tpu.memory_space<hbm>>, %arg4: memref<64x80xf32, #tpu.memory_space<hbm>>, %arg5: memref<2x2048xi32, #tpu.memory_space<vmem>>, %arg6: memref<2x80xf32, #tpu.memory_space<vmem>>, %arg7: memref<2x80xf32, #tpu.memory_space<vmem>>, %arg8: memref<!tpu.dma_semaphore, #tpu.memory_space<semaphore_mem>>, %arg9: memref<!tpu.dma_semaphore, #tpu.memory_space<semaphore_mem>>) attributes {dimension_semantics = [#tpu.dimension_semantics<core_parallel>, #tpu.dimension_semantics<subcore_parallel>], iteration_bounds = array<i64: 2, 16>, scalar_prefetch = 0 : i64, scratch_operands = 5 : i64, tpu.core_type = #tpu.core_type<sc_vector_subcore>, window_params = [{transform_indices = #map}, {transform_indices = #map}, {transform_indices = #map}]} {
    %mul3A = arith.constant 2 : i32
    %mul3A_0 = arith.muli %arg1, %mul3A : i32
    %add3A = arith.addi %mul3A_0, %arg0 : i32
    %mul3A_1 = arith.constant 2 : i32
    %mul3A_2 = arith.muli %add3A, %mul3A_1 : i32
    %dma_start3A = arith.constant 0 : i32
    %dma_start3A_3 = tpu.memref_slice %arg2[%mul3A_2, %dma_start3A] : memref<64x2048xi32, #tpu.memory_space<hbm>> -> memref<2x2048xi32, #tpu.memory_space<hbm>>
    %dma_start3A_4 = arith.constant 0 : i32
    %dma_start3A_5 = tpu.memref_slice %arg2[%mul3A_2, %dma_start3A_4] : memref<64x2048xi32, #tpu.memory_space<hbm>> -> memref<2x2048xi32, #tpu.memory_space<hbm>>
    tpu.enqueue_dma source(%dma_start3A_5 : memref<2x2048xi32, #tpu.memory_space<hbm>>) target(%arg5 : memref<2x2048xi32, #tpu.memory_space<vmem>>) target_semaphore(%arg8 : memref<!tpu.dma_semaphore, #tpu.memory_space<semaphore_mem>>)
    %broadcast_in_dim3A = arith.constant 0.000000e+00 : f32
    %broadcast_in_dim3A_6 = vector.broadcast %broadcast_in_dim3A : f32 to vector<16xf32>
    %broadcast_in_dim3A_7 = arith.constant 1.000000e+00 : f32
    %broadcast_in_dim3A_8 = vector.broadcast %broadcast_in_dim3A_7 : f32 to vector<16xf32>
    %broadcast_in_dim3A_9 = arith.constant 0 : i32
    %broadcast_in_dim3A_10 = vector.broadcast %broadcast_in_dim3A_9 : i32 to vector<16xi32>
    %broadcast_in_dim3A_11 = arith.constant 1 : i32
    %broadcast_in_dim3A_12 = vector.broadcast %broadcast_in_dim3A_11 : i32 to vector<16xi32>
    %swap3A = arith.constant 0 : i32
    %swap3A_13 = arith.index_cast %swap3A : i32 to index
    %swap3A_14 = arith.constant 0 : index
    %swap3A_15 = tpu.vector_load %arg6[%swap3A_13, %swap3A_14] {strides = array<i32>} : memref<2x80xf32, #tpu.memory_space<vmem>>, vector<16xf32>,
    tpu.vector_store %arg6[%swap3A_13, %swap3A_14], %broadcast_in_dim3A_6 {strides = array<i32>} : memref<2x80xf32, #tpu.memory_space<vmem>>, vector<16xf32>,
    %swap3A_16 = arith.constant 0 : i32
    %swap3A_17 = arith.index_cast %swap3A_16 : i32 to index
    %swap3A_18 = arith.constant 0 : index
    %swap3A_19 = tpu.vector_load %arg7[%swap3A_17, %swap3A_18] {strides = array<i32>} : memref<2x80xf32, #tpu.memory_space<vmem>>, vector<16xf32>,
    tpu.vector_store %arg7[%swap3A_17, %swap3A_18], %broadcast_in_dim3A_6 {strides = array<i32>} : memref<2x80xf32, #tpu.memory_space<vmem>>, vector<16xf32>,
    %swap3A_20 = arith.constant 0 : i32
    %swap3A_21 = arith.index_cast %swap3A_20 : i32 to index
    %swap3A_22 = arith.constant 16 : index
    %swap3A_23 = tpu.vector_load %arg6[%swap3A_21, %swap3A_22] {strides = array<i32>} : memref<2x80xf32, #tpu.memory_space<vmem>>, vector<16xf32>,
    tpu.vector_store %arg6[%swap3A_21, %swap3A_22], %broadcast_in_dim3A_6 {strides = array<i32>} : memref<2x80xf32, #tpu.memory_space<vmem>>, vector<16xf32>,
    %swap3A_24 = arith.constant 0 : i32
    %swap3A_25 = arith.index_cast %swap3A_24 : i32 to index
    %swap3A_26 = arith.constant 16 : index
    %swap3A_27 = tpu.vector_load %arg7[%swap3A_25, %swap3A_26] {strides = array<i32>} : memref<2x80xf32, #tpu.memory_space<vmem>>, vector<16xf32>,
    tpu.vector_store %arg7[%swap3A_25, %swap3A_26], %broadcast_in_dim3A_6 {strides = array<i32>} : memref<2x80xf32, #tpu.memory_space<vmem>>, vector<16xf32>,
    %swap3A_28 = arith.constant 0 : i32
    %swap3A_29 = arith.index_cast %swap3A_28 : i32 to index
    %swap3A_30 = arith.constant 32 : index
    %swap3A_31 = tpu.vector_load %arg6[%swap3A_29, %swap3A_30] {strides = array<i32>} : memref<2x80xf32, #tpu.memory_space<vmem>>, vector<16xf32>,
    tpu.vector_store %arg6[%swap3A_29, %swap3A_30], %broadcast_in_dim3A_6 {strides = array<i32>} : memref<2x80xf32, #tpu.memory_space<vmem>>, vector<16xf32>,
    %swap3A_32 = arith.constant 0 : i32
    %swap3A_33 = arith.index_cast %swap3A_32 : i32 to index
    %swap3A_34 = arith.constant 32 : index
    %swap3A_35 = tpu.vector_load %arg7[%swap3A_33, %swap3A_34] {strides = array<i32>} : memref<2x80xf32, #tpu.memory_space<vmem>>, vector<16xf32>,
    tpu.vector_store %arg7[%swap3A_33, %swap3A_34], %broadcast_in_dim3A_6 {strides = array<i32>} : memref<2x80xf32, #tpu.memory_space<vmem>>, vector<16xf32>,
    %swap3A_36 = arith.constant 0 : i32
    %swap3A_37 = arith.index_cast %swap3A_36 : i32 to index
    %swap3A_38 = arith.constant 48 : index
    %swap3A_39 = tpu.vector_load %arg6[%swap3A_37, %swap3A_38] {strides = array<i32>} : memref<2x80xf32, #tpu.memory_space<vmem>>, vector<16xf32>,
    tpu.vector_store %arg6[%swap3A_37, %swap3A_38], %broadcast_in_dim3A_6 {strides = array<i32>} : memref<2x80xf32, #tpu.memory_space<vmem>>, vector<16xf32>,
    %swap3A_40 = arith.constant 0 : i32
    %swap3A_41 = arith.index_cast %swap3A_40 : i32 to index
    %swap3A_42 = arith.constant 48 : index
    %swap3A_43 = tpu.vector_load %arg7[%swap3A_41, %swap3A_42] {strides = array<i32>} : memref<2x80xf32, #tpu.memory_space<vmem>>, vector<16xf32>,
    tpu.vector_store %arg7[%swap3A_41, %swap3A_42], %broadcast_in_dim3A_6 {strides = array<i32>} : memref<2x80xf32, #tpu.memory_space<vmem>>, vector<16xf32>,
    %swap3A_44 = arith.constant 0 : i32
    %swap3A_45 = arith.index_cast %swap3A_44 : i32 to index
    %swap3A_46 = arith.constant 64 : index
    %swap3A_47 = tpu.vector_load %arg6[%swap3A_45, %swap3A_46] {strides = array<i32>} : memref<2x80xf32, #tpu.memory_space<vmem>>, vector<16xf32>,
    tpu.vector_store %arg6[%swap3A_45, %swap3A_46], %broadcast_in_dim3A_6 {strides = array<i32>} : memref<2x80xf32, #tpu.memory_space<vmem>>, vector<16xf32>,
    %swap3A_48 = arith.constant 0 : i32
    %swap3A_49 = arith.index_cast %swap3A_48 : i32 to index
    %swap3A_50 = arith.constant 64 : index
    %swap3A_51 = tpu.vector_load %arg7[%swap3A_49, %swap3A_50] {strides = array<i32>} : memref<2x80xf32, #tpu.memory_space<vmem>>, vector<16xf32>,
    tpu.vector_store %arg7[%swap3A_49, %swap3A_50], %broadcast_in_dim3A_6 {strides = array<i32>} : memref<2x80xf32, #tpu.memory_space<vmem>>, vector<16xf32>,
    %swap3A_52 = arith.constant 1 : i32
    %swap3A_53 = arith.index_cast %swap3A_52 : i32 to index
    %swap3A_54 = arith.constant 0 : index
    %swap3A_55 = tpu.vector_load %arg6[%swap3A_53, %swap3A_54] {strides = array<i32>} : memref<2x80xf32, #tpu.memory_space<vmem>>, vector<16xf32>,
    tpu.vector_store %arg6[%swap3A_53, %swap3A_54], %broadcast_in_dim3A_6 {strides = array<i32>} : memref<2x80xf32, #tpu.memory_space<vmem>>, vector<16xf32>,
    %swap3A_56 = arith.constant 1 : i32
    %swap3A_57 = arith.index_cast %swap3A_56 : i32 to index
    %swap3A_58 = arith.constant 0 : index
    %swap3A_59 = tpu.vector_load %arg7[%swap3A_57, %swap3A_58] {strides = array<i32>} : memref<2x80xf32, #tpu.memory_space<vmem>>, vector<16xf32>,
    tpu.vector_store %arg7[%swap3A_57, %swap3A_58], %broadcast_in_dim3A_6 {strides = array<i32>} : memref<2x80xf32, #tpu.memory_space<vmem>>, vector<16xf32>,
    %swap3A_60 = arith.constant 1 : i32
    %swap3A_61 = arith.index_cast %swap3A_60 : i32 to index
    %swap3A_62 = arith.constant 16 : index
    %swap3A_63 = tpu.vector_load %arg6[%swap3A_61, %swap3A_62] {strides = array<i32>} : memref<2x80xf32, #tpu.memory_space<vmem>>, vector<16xf32>,
    tpu.vector_store %arg6[%swap3A_61, %swap3A_62], %broadcast_in_dim3A_6 {strides = array<i32>} : memref<2x80xf32, #tpu.memory_space<vmem>>, vector<16xf32>,
    %swap3A_64 = arith.constant 1 : i32
    %swap3A_65 = arith.index_cast %swap3A_64 : i32 to index
    %swap3A_66 = arith.constant 16 : index
    %swap3A_67 = tpu.vector_load %arg7[%swap3A_65, %swap3A_66] {strides = array<i32>} : memref<2x80xf32, #tpu.memory_space<vmem>>, vector<16xf32>,
    tpu.vector_store %arg7[%swap3A_65, %swap3A_66], %broadcast_in_dim3A_6 {strides = array<i32>} : memref<2x80xf32, #tpu.memory_space<vmem>>, vector<16xf32>,
    %swap3A_68 = arith.constant 1 : i32
    %swap3A_69 = arith.index_cast %swap3A_68 : i32 to index
    %swap3A_70 = arith.constant 32 : index
    %swap3A_71 = tpu.vector_load %arg6[%swap3A_69, %swap3A_70] {strides = array<i32>} : memref<2x80xf32, #tpu.memory_space<vmem>>, vector<16xf32>,
    tpu.vector_store %arg6[%swap3A_69, %swap3A_70], %broadcast_in_dim3A_6 {strides = array<i32>} : memref<2x80xf32, #tpu.memory_space<vmem>>, vector<16xf32>,
    %swap3A_72 = arith.constant 1 : i32
    %swap3A_73 = arith.index_cast %swap3A_72 : i32 to index
    %swap3A_74 = arith.constant 32 : index
    %swap3A_75 = tpu.vector_load %arg7[%swap3A_73, %swap3A_74] {strides = array<i32>} : memref<2x80xf32, #tpu.memory_space<vmem>>, vector<16xf32>,
    tpu.vector_store %arg7[%swap3A_73, %swap3A_74], %broadcast_in_dim3A_6 {strides = array<i32>} : memref<2x80xf32, #tpu.memory_space<vmem>>, vector<16xf32>,
    %swap3A_76 = arith.constant 1 : i32
    %swap3A_77 = arith.index_cast %swap3A_76 : i32 to index
    %swap3A_78 = arith.constant 48 : index
    %swap3A_79 = tpu.vector_load %arg6[%swap3A_77, %swap3A_78] {strides = array<i32>} : memref<2x80xf32, #tpu.memory_space<vmem>>, vector<16xf32>,
    tpu.vector_store %arg6[%swap3A_77, %swap3A_78], %broadcast_in_dim3A_6 {strides = array<i32>} : memref<2x80xf32, #tpu.memory_space<vmem>>, vector<16xf32>,
    %swap3A_80 = arith.constant 1 : i32
    %swap3A_81 = arith.index_cast %swap3A_80 : i32 to index
    %swap3A_82 = arith.constant 48 : index
    %swap3A_83 = tpu.vector_load %arg7[%swap3A_81, %swap3A_82] {strides = array<i32>} : memref<2x80xf32, #tpu.memory_space<vmem>>, vector<16xf32>,
    tpu.vector_store %arg7[%swap3A_81, %swap3A_82], %broadcast_in_dim3A_6 {strides = array<i32>} : memref<2x80xf32, #tpu.memory_space<vmem>>, vector<16xf32>,
    %swap3A_84 = arith.constant 1 : i32
    %swap3A_85 = arith.index_cast %swap3A_84 : i32 to index
    %swap3A_86 = arith.constant 64 : index
    %swap3A_87 = tpu.vector_load %arg6[%swap3A_85, %swap3A_86] {strides = array<i32>} : memref<2x80xf32, #tpu.memory_space<vmem>>, vector<16xf32>,
    tpu.vector_store %arg6[%swap3A_85, %swap3A_86], %broadcast_in_dim3A_6 {strides = array<i32>} : memref<2x80xf32, #tpu.memory_space<vmem>>, vector<16xf32>,
    %swap3A_88 = arith.constant 1 : i32
    %swap3A_89 = arith.index_cast %swap3A_88 : i32 to index
    %swap3A_90 = arith.constant 64 : index
    %swap3A_91 = tpu.vector_load %arg7[%swap3A_89, %swap3A_90] {strides = array<i32>} : memref<2x80xf32, #tpu.memory_space<vmem>>, vector<16xf32>,
    tpu.vector_store %arg7[%swap3A_89, %swap3A_90], %broadcast_in_dim3A_6 {strides = array<i32>} : memref<2x80xf32, #tpu.memory_space<vmem>>, vector<16xf32>,
    %dma_wait3A = arith.constant 0 : i32
    %dma_wait3A_92 = tpu.memref_slice %arg2[%mul3A_2, %dma_wait3A] : memref<64x2048xi32, #tpu.memory_space<hbm>> -> memref<2x2048xi32, #tpu.memory_space<hbm>>
    %dma_wait3A_93 = arith.constant 0 : i32
    %dma_wait3A_94 = tpu.memref_slice %arg2[%mul3A_2, %dma_wait3A_93] : memref<64x2048xi32, #tpu.memory_space<hbm>> -> memref<2x2048xi32, #tpu.memory_space<hbm>>
    tpu.wait_dma2 semaphore(%arg8 : memref<!tpu.dma_semaphore, #tpu.memory_space<semaphore_mem>>) src(%dma_wait3A_94 : memref<2x2048xi32, #tpu.memory_space<hbm>>) dst(%arg5 : memref<2x2048xi32, #tpu.memory_space<vmem>>)
    %parallel_loop3A = arith.constant 0 : i32
    %parallel_loop3A_95 = arith.constant 128 : i32
    %parallel_loop3A_96 = arith.constant 1 : i32
    scf.for %parallel_loop3A_113 = %parallel_loop3A to %parallel_loop3A_95 step %parallel_loop3A_96  : i32 {
      %parallel_loop3A_114 = arith.constant 16 : i32
      %parallel_loop3A_115 = arith.muli %parallel_loop3A_113, %parallel_loop3A_114 : i32
      %parallel_loop3A_116 = arith.constant 0 : i32
      %parallel_loop3A_117 = arith.index_cast %parallel_loop3A_116 : i32 to index
      %parallel_loop3A_118 = arith.index_cast %parallel_loop3A_115 : i32 to index
      %parallel_loop3A_119 = tpu.vector_load %arg5[%parallel_loop3A_117, %parallel_loop3A_118] {strides = array<i32>} : memref<2x2048xi32, #tpu.memory_space<vmem>>, vector<16xi32>,
      %parallel_loop3A_120 = arith.constant 255 : i32
      %parallel_loop3A_121 = vector.broadcast %parallel_loop3A_120 : i32 to vector<16xi32>
      %parallel_loop3A_122 = arith.andi %parallel_loop3A_119, %parallel_loop3A_121 : vector<16xi32>
      %parallel_loop3A_123 = arith.constant 79 : i32
      %parallel_loop3A_124 = vector.broadcast %parallel_loop3A_123 : i32 to vector<16xi32>
      %parallel_loop3A_125 = arith.minsi %parallel_loop3A_122, %parallel_loop3A_124 : vector<16xi32>
      %parallel_loop3A_126 = arith.constant 8 : i32
      %parallel_loop3A_127 = vector.broadcast %parallel_loop3A_126 : i32 to vector<16xi32>
      %parallel_loop3A_128 = arith.shrsi %parallel_loop3A_119, %parallel_loop3A_127 : vector<16xi32>
      %parallel_loop3A_129 = arith.constant 255 : i32
      %parallel_loop3A_130 = vector.broadcast %parallel_loop3A_129 : i32 to vector<16xi32>
      %parallel_loop3A_131 = arith.andi %parallel_loop3A_128, %parallel_loop3A_130 : vector<16xi32>
      %parallel_loop3A_132 = arith.constant 79 : i32
      %parallel_loop3A_133 = vector.broadcast %parallel_loop3A_132 : i32 to vector<16xi32>
      %parallel_loop3A_134 = arith.minsi %parallel_loop3A_131, %parallel_loop3A_133 : vector<16xi32>
      %parallel_loop3A_135 = arith.constant 16 : i32
      %parallel_loop3A_136 = vector.broadcast %parallel_loop3A_135 : i32 to vector<16xi32>
      %parallel_loop3A_137 = arith.shrsi %parallel_loop3A_119, %parallel_loop3A_136 : vector<16xi32>
      %parallel_loop3A_138 = arith.constant 0 : i32
      %parallel_loop3A_139 = vector.broadcast %parallel_loop3A_138 : i32 to vector<16xi32>
      %parallel_loop3A_140 = arith.cmpi sgt, %parallel_loop3A_137, %parallel_loop3A_139 : vector<16xi32>
      tpu.vector_store_idx %arg6[%broadcast_in_dim3A_10, %parallel_loop3A_125], %broadcast_in_dim3A_8 masked %parallel_loop3A_140 {add = true} : memref<2x80xf32, #tpu.memory_space<vmem>>[vector<16xi32>, vector<16xi32>], vector<16xf32>, vector<16xi1>
      tpu.vector_store_idx %arg7[%broadcast_in_dim3A_10, %parallel_loop3A_134], %broadcast_in_dim3A_8 masked %parallel_loop3A_140 {add = true} : memref<2x80xf32, #tpu.memory_space<vmem>>[vector<16xi32>, vector<16xi32>], vector<16xf32>, vector<16xi1>
      %parallel_loop3A_141 = arith.constant 1 : i32
      %parallel_loop3A_142 = arith.index_cast %parallel_loop3A_141 : i32 to index
      %parallel_loop3A_143 = arith.index_cast %parallel_loop3A_115 : i32 to index
      %parallel_loop3A_144 = tpu.vector_load %arg5[%parallel_loop3A_142, %parallel_loop3A_143] {strides = array<i32>} : memref<2x2048xi32, #tpu.memory_space<vmem>>, vector<16xi32>,
      %parallel_loop3A_145 = arith.constant 255 : i32
      %parallel_loop3A_146 = vector.broadcast %parallel_loop3A_145 : i32 to vector<16xi32>
      %parallel_loop3A_147 = arith.andi %parallel_loop3A_144, %parallel_loop3A_146 : vector<16xi32>
      %parallel_loop3A_148 = arith.constant 79 : i32
      %parallel_loop3A_149 = vector.broadcast %parallel_loop3A_148 : i32 to vector<16xi32>
      %parallel_loop3A_150 = arith.minsi %parallel_loop3A_147, %parallel_loop3A_149 : vector<16xi32>
      %parallel_loop3A_151 = arith.constant 8 : i32
      %parallel_loop3A_152 = vector.broadcast %parallel_loop3A_151 : i32 to vector<16xi32>
      %parallel_loop3A_153 = arith.shrsi %parallel_loop3A_144, %parallel_loop3A_152 : vector<16xi32>
      %parallel_loop3A_154 = arith.constant 255 : i32
      %parallel_loop3A_155 = vector.broadcast %parallel_loop3A_154 : i32 to vector<16xi32>
      %parallel_loop3A_156 = arith.andi %parallel_loop3A_153, %parallel_loop3A_155 : vector<16xi32>
      %parallel_loop3A_157 = arith.constant 79 : i32
      %parallel_loop3A_158 = vector.broadcast %parallel_loop3A_157 : i32 to vector<16xi32>
      %parallel_loop3A_159 = arith.minsi %parallel_loop3A_156, %parallel_loop3A_158 : vector<16xi32>
      %parallel_loop3A_160 = arith.constant 16 : i32
      %parallel_loop3A_161 = vector.broadcast %parallel_loop3A_160 : i32 to vector<16xi32>
      %parallel_loop3A_162 = arith.shrsi %parallel_loop3A_144, %parallel_loop3A_161 : vector<16xi32>
      %parallel_loop3A_163 = arith.constant 0 : i32
      %parallel_loop3A_164 = vector.broadcast %parallel_loop3A_163 : i32 to vector<16xi32>
      %parallel_loop3A_165 = arith.cmpi sgt, %parallel_loop3A_162, %parallel_loop3A_164 : vector<16xi32>
      tpu.vector_store_idx %arg6[%broadcast_in_dim3A_12, %parallel_loop3A_150], %broadcast_in_dim3A_8 masked %parallel_loop3A_165 {add = true} : memref<2x80xf32, #tpu.memory_space<vmem>>[vector<16xi32>, vector<16xi32>], vector<16xf32>, vector<16xi1>
      tpu.vector_store_idx %arg7[%broadcast_in_dim3A_12, %parallel_loop3A_159], %broadcast_in_dim3A_8 masked %parallel_loop3A_165 {add = true} : memref<2x80xf32, #tpu.memory_space<vmem>>[vector<16xi32>, vector<16xi32>], vector<16xf32>, vector<16xi1>
    } {sc.loop_unroll_factor = 16 : i64, sc.parallel_access}
    %dma_start3A_97 = arith.constant 0 : i32
    %dma_start3A_98 = tpu.memref_slice %arg3[%mul3A_2, %dma_start3A_97] : memref<64x80xf32, #tpu.memory_space<hbm>> -> memref<2x80xf32, #tpu.memory_space<hbm>>
    %dma_start3A_99 = arith.constant 0 : i32
    %dma_start3A_100 = tpu.memref_slice %arg3[%mul3A_2, %dma_start3A_99] : memref<64x80xf32, #tpu.memory_space<hbm>> -> memref<2x80xf32, #tpu.memory_space<hbm>>
    tpu.enqueue_dma source(%arg6 : memref<2x80xf32, #tpu.memory_space<vmem>>) target(%dma_start3A_100 : memref<2x80xf32, #tpu.memory_space<hbm>>) target_semaphore(%arg9 : memref<!tpu.dma_semaphore, #tpu.memory_space<semaphore_mem>>)
    %dma_start3A_101 = arith.constant 0 : i32
    %dma_start3A_102 = tpu.memref_slice %arg4[%mul3A_2, %dma_start3A_101] : memref<64x80xf32, #tpu.memory_space<hbm>> -> memref<2x80xf32, #tpu.memory_space<hbm>>
    %dma_start3A_103 = arith.constant 0 : i32
    %dma_start3A_104 = tpu.memref_slice %arg4[%mul3A_2, %dma_start3A_103] : memref<64x80xf32, #tpu.memory_space<hbm>> -> memref<2x80xf32, #tpu.memory_space<hbm>>
    tpu.enqueue_dma source(%arg7 : memref<2x80xf32, #tpu.memory_space<vmem>>) target(%dma_start3A_104 : memref<2x80xf32, #tpu.memory_space<hbm>>) target_semaphore(%arg9 : memref<!tpu.dma_semaphore, #tpu.memory_space<semaphore_mem>>)
    %dma_wait3A_105 = arith.constant 0 : i32
    %dma_wait3A_106 = tpu.memref_slice %arg3[%mul3A_2, %dma_wait3A_105] : memref<64x80xf32, #tpu.memory_space<hbm>> -> memref<2x80xf32, #tpu.memory_space<hbm>>
    %dma_wait3A_107 = arith.constant 0 : i32
    %dma_wait3A_108 = tpu.memref_slice %arg3[%mul3A_2, %dma_wait3A_107] : memref<64x80xf32, #tpu.memory_space<hbm>> -> memref<2x80xf32, #tpu.memory_space<hbm>>
    tpu.wait_dma2 semaphore(%arg9 : memref<!tpu.dma_semaphore, #tpu.memory_space<semaphore_mem>>) src(%arg6 : memref<2x80xf32, #tpu.memory_space<vmem>>) dst(%dma_wait3A_108 : memref<2x80xf32, #tpu.memory_space<hbm>>)
    %dma_wait3A_109 = arith.constant 0 : i32
    %dma_wait3A_110 = tpu.memref_slice %arg4[%mul3A_2, %dma_wait3A_109] : memref<64x80xf32, #tpu.memory_space<hbm>> -> memref<2x80xf32, #tpu.memory_space<hbm>>
    %dma_wait3A_111 = arith.constant 0 : i32
    %dma_wait3A_112 = tpu.memref_slice %arg4[%mul3A_2, %dma_wait3A_111] : memref<64x80xf32, #tpu.memory_space<hbm>> -> memref<2x80xf32, #tpu.memory_space<hbm>>
    tpu.wait_dma2 semaphore(%arg9 : memref<!tpu.dma_semaphore, #tpu.memory_space<semaphore_mem>>) src(%arg7 : memref<2x80xf32, #tpu.memory_space<vmem>>) dst(%dma_wait3A_112 : memref<2x80xf32, #tpu.memory_space<hbm>>)
    return
  }
}

module attributes {stable_mosaic.version = 14 : i64} {
  func.func @body(%arg0: memref<64x80xf32, #tpu.memory_space<vmem>>, %arg1: memref<64x80xf32, #tpu.memory_space<vmem>>, %arg2: memref<64x1xi32, #tpu.memory_space<vmem>>, %arg3: memref<5x80xf32, #tpu.memory_space<vmem>>, %arg4: memref<80x80xf32, #tpu.memory_space<vmem>>, %arg5: memref<1x80xf32, #tpu.memory_space<vmem>>, %arg6: memref<64xf32, #tpu.memory_space<vmem>>) attributes {dimension_semantics = [], scalar_prefetch = 0 : i64, scratch_operands = 0 : i64, tpu.core_type = #tpu.core_type<tc>} {
    %get3A = arith.constant 0 : index
    %get3A_0 = arith.constant 0 : index
    %get3A_1 = vector.load %arg0[%get3A, %get3A_0] : memref<64x80xf32, #tpu.memory_space<vmem>>, vector<64x80xf32>
    %get3A_2 = arith.constant 0 : index
    %get3A_3 = arith.constant 0 : index
    %get3A_4 = vector.load %arg1[%get3A_2, %get3A_3] : memref<64x80xf32, #tpu.memory_space<vmem>>, vector<64x80xf32>
    %get3A_5 = arith.constant 0 : index
    %get3A_6 = arith.constant 0 : index
    %get3A_7 = vector.load %arg4[%get3A_5, %get3A_6] : memref<80x80xf32, #tpu.memory_space<vmem>>, vector<80x80xf32>
    %get3A_8 = arith.constant 0 : index
    %get3A_9 = arith.constant 0 : index
    %get3A_10 = vector.load %arg5[%get3A_8, %get3A_9] : memref<1x80xf32, #tpu.memory_space<vmem>>, vector<1x80xf32>
    %dot_general3A = arith.constant dense<0.000000e+00> : vector<64x80xf32>
    %dot_general3A_11 = tpu.matmul %get3A_1, %get3A_7, %dot_general3A {dimension_numbers = #tpu.dot_dimension_numbers<[1], [0], [0], [1], [0, 0, 1, 1], [], []>, transpose_lhs_hint = false} : vector<64x80xf32>, vector<80x80xf32>, vector<64x80xf32> -> vector<64x80xf32>
    %dot_general3A_12 = arith.constant dense<0.000000e+00> : vector<64x80xf32>
    %dot_general3A_13 = tpu.matmul %get3A_4, %get3A_7, %dot_general3A_12 {dimension_numbers = #tpu.dot_dimension_numbers<[1], [0], [0], [1], [0, 0, 1, 1], [], []>, transpose_lhs_hint = false} : vector<64x80xf32>, vector<80x80xf32>, vector<64x80xf32> -> vector<64x80xf32>
    %mul3A = vector.broadcast %get3A_10 : vector<1x80xf32> to vector<64x80xf32>
    %mul3A_14 = arith.mulf %get3A_1, %mul3A : vector<64x80xf32>
    %max3A = arith.constant 1.000000e+00 : f32
    %max3A_15 = vector.broadcast %max3A : f32 to vector<64x80xf32>
    %max3A_16 = arith.maximumf %dot_general3A_11, %max3A_15 : vector<64x80xf32>
    %div3A = arith.divf %mul3A_14, %max3A_16 : vector<64x80xf32>
    %mul3A_17 = vector.broadcast %get3A_10 : vector<1x80xf32> to vector<64x80xf32>
    %mul3A_18 = arith.mulf %get3A_4, %mul3A_17 : vector<64x80xf32>
    %max3A_19 = arith.constant 1.000000e+00 : f32
    %max3A_20 = vector.broadcast %max3A_19 : f32 to vector<64x80xf32>
    %max3A_21 = arith.maximumf %dot_general3A_13, %max3A_20 : vector<64x80xf32>
    %div3A_22 = arith.divf %mul3A_18, %max3A_21 : vector<64x80xf32>
    %get3A_23 = arith.constant 0 : index
    %get3A_24 = arith.constant 0 : index
    %get3A_25 = vector.load %arg2[%get3A_23, %get3A_24] : memref<64x1xi32, #tpu.memory_space<vmem>>, vector<64x1xi32>
    %broadcast_in_dim3A = arith.constant 0.000000e+00 : f32
    %broadcast_in_dim3A_26 = vector.broadcast %broadcast_in_dim3A : f32 to vector<64x80xf32>
    %get3A_27 = arith.constant 0 : index
    %get3A_28 = arith.constant 0 : index
    %get3A_29 = vector.load %arg3[%get3A_27, %get3A_28] : memref<5x80xf32, #tpu.memory_space<vmem>>, vector<1x80xf32>
    %eq3A = arith.constant 0 : i32
    %eq3A_30 = vector.broadcast %eq3A : i32 to vector<64x1xi32>
    %eq3A_31 = arith.cmpi eq, %get3A_25, %eq3A_30 : vector<64x1xi32>
    %jit3A = arith.constant 0.000000e+00 : f32
    %broadcast_in_dim3A_32 = vector.shape_cast %eq3A_31 : vector<64x1xi1> to vector<64x1xi1>
    %broadcast_in_dim3A_33 = vector.broadcast %broadcast_in_dim3A_32 : vector<64x1xi1> to vector<64x80xi1>
    %broadcast_in_dim3A_34 = vector.shape_cast %get3A_29 : vector<1x80xf32> to vector<1x80xf32>
    %broadcast_in_dim3A_35 = vector.broadcast %broadcast_in_dim3A_34 : vector<1x80xf32> to vector<64x80xf32>
    %broadcast_in_dim3A_36 = vector.broadcast %jit3A : f32 to vector<64x80xf32>
    %select_n3A = arith.select %broadcast_in_dim3A_33, %broadcast_in_dim3A_35, %broadcast_in_dim3A_36 : vector<64x80xi1>, vector<64x80xf32>
    %add3A = arith.addf %broadcast_in_dim3A_26, %select_n3A : vector<64x80xf32>
    %get3A_37 = arith.constant 1 : index
    %get3A_38 = arith.constant 0 : index
    %get3A_39 = vector.load %arg3[%get3A_37, %get3A_38] : memref<5x80xf32, #tpu.memory_space<vmem>>, vector<1x80xf32>
    %eq3A_40 = arith.constant 1 : i32
    %eq3A_41 = vector.broadcast %eq3A_40 : i32 to vector<64x1xi32>
    %eq3A_42 = arith.cmpi eq, %get3A_25, %eq3A_41 : vector<64x1xi32>
    %jit3A_43 = arith.constant 0.000000e+00 : f32
    %broadcast_in_dim3A_44 = vector.shape_cast %eq3A_42 : vector<64x1xi1> to vector<64x1xi1>
    %broadcast_in_dim3A_45 = vector.broadcast %broadcast_in_dim3A_44 : vector<64x1xi1> to vector<64x80xi1>
    %broadcast_in_dim3A_46 = vector.shape_cast %get3A_39 : vector<1x80xf32> to vector<1x80xf32>
    %broadcast_in_dim3A_47 = vector.broadcast %broadcast_in_dim3A_46 : vector<1x80xf32> to vector<64x80xf32>
    %broadcast_in_dim3A_48 = vector.broadcast %jit3A_43 : f32 to vector<64x80xf32>
    %select_n3A_49 = arith.select %broadcast_in_dim3A_45, %broadcast_in_dim3A_47, %broadcast_in_dim3A_48 : vector<64x80xi1>, vector<64x80xf32>
    %add3A_50 = arith.addf %add3A, %select_n3A_49 : vector<64x80xf32>
    %get3A_51 = arith.constant 2 : index
    %get3A_52 = arith.constant 0 : index
    %get3A_53 = vector.load %arg3[%get3A_51, %get3A_52] : memref<5x80xf32, #tpu.memory_space<vmem>>, vector<1x80xf32>
    %eq3A_54 = arith.constant 2 : i32
    %eq3A_55 = vector.broadcast %eq3A_54 : i32 to vector<64x1xi32>
    %eq3A_56 = arith.cmpi eq, %get3A_25, %eq3A_55 : vector<64x1xi32>
    %jit3A_57 = arith.constant 0.000000e+00 : f32
    %broadcast_in_dim3A_58 = vector.shape_cast %eq3A_56 : vector<64x1xi1> to vector<64x1xi1>
    %broadcast_in_dim3A_59 = vector.broadcast %broadcast_in_dim3A_58 : vector<64x1xi1> to vector<64x80xi1>
    %broadcast_in_dim3A_60 = vector.shape_cast %get3A_53 : vector<1x80xf32> to vector<1x80xf32>
    %broadcast_in_dim3A_61 = vector.broadcast %broadcast_in_dim3A_60 : vector<1x80xf32> to vector<64x80xf32>
    %broadcast_in_dim3A_62 = vector.broadcast %jit3A_57 : f32 to vector<64x80xf32>
    %select_n3A_63 = arith.select %broadcast_in_dim3A_59, %broadcast_in_dim3A_61, %broadcast_in_dim3A_62 : vector<64x80xi1>, vector<64x80xf32>
    %add3A_64 = arith.addf %add3A_50, %select_n3A_63 : vector<64x80xf32>
    %get3A_65 = arith.constant 3 : index
    %get3A_66 = arith.constant 0 : index
    %get3A_67 = vector.load %arg3[%get3A_65, %get3A_66] : memref<5x80xf32, #tpu.memory_space<vmem>>, vector<1x80xf32>
    %eq3A_68 = arith.constant 3 : i32
    %eq3A_69 = vector.broadcast %eq3A_68 : i32 to vector<64x1xi32>
    %eq3A_70 = arith.cmpi eq, %get3A_25, %eq3A_69 : vector<64x1xi32>
    %jit3A_71 = arith.constant 0.000000e+00 : f32
    %broadcast_in_dim3A_72 = vector.shape_cast %eq3A_70 : vector<64x1xi1> to vector<64x1xi1>
    %broadcast_in_dim3A_73 = vector.broadcast %broadcast_in_dim3A_72 : vector<64x1xi1> to vector<64x80xi1>
    %broadcast_in_dim3A_74 = vector.shape_cast %get3A_67 : vector<1x80xf32> to vector<1x80xf32>
    %broadcast_in_dim3A_75 = vector.broadcast %broadcast_in_dim3A_74 : vector<1x80xf32> to vector<64x80xf32>
    %broadcast_in_dim3A_76 = vector.broadcast %jit3A_71 : f32 to vector<64x80xf32>
    %select_n3A_77 = arith.select %broadcast_in_dim3A_73, %broadcast_in_dim3A_75, %broadcast_in_dim3A_76 : vector<64x80xi1>, vector<64x80xf32>
    %add3A_78 = arith.addf %add3A_64, %select_n3A_77 : vector<64x80xf32>
    %get3A_79 = arith.constant 4 : index
    %get3A_80 = arith.constant 0 : index
    %get3A_81 = vector.load %arg3[%get3A_79, %get3A_80] : memref<5x80xf32, #tpu.memory_space<vmem>>, vector<1x80xf32>
    %eq3A_82 = arith.constant 4 : i32
    %eq3A_83 = vector.broadcast %eq3A_82 : i32 to vector<64x1xi32>
    %eq3A_84 = arith.cmpi eq, %get3A_25, %eq3A_83 : vector<64x1xi32>
    %jit3A_85 = arith.constant 0.000000e+00 : f32
    %broadcast_in_dim3A_86 = vector.shape_cast %eq3A_84 : vector<64x1xi1> to vector<64x1xi1>
    %broadcast_in_dim3A_87 = vector.broadcast %broadcast_in_dim3A_86 : vector<64x1xi1> to vector<64x80xi1>
    %broadcast_in_dim3A_88 = vector.shape_cast %get3A_81 : vector<1x80xf32> to vector<1x80xf32>
    %broadcast_in_dim3A_89 = vector.broadcast %broadcast_in_dim3A_88 : vector<1x80xf32> to vector<64x80xf32>
    %broadcast_in_dim3A_90 = vector.broadcast %jit3A_85 : f32 to vector<64x80xf32>
    %select_n3A_91 = arith.select %broadcast_in_dim3A_87, %broadcast_in_dim3A_89, %broadcast_in_dim3A_90 : vector<64x80xi1>, vector<64x80xf32>
    %add3A_92 = arith.addf %add3A_78, %select_n3A_91 : vector<64x80xf32>
    %mul3A_93 = arith.constant 0.699999988 : f32
    %mul3A_94 = vector.broadcast %mul3A_93 : f32 to vector<64x80xf32>
    %mul3A_95 = arith.mulf %mul3A_94, %div3A : vector<64x80xf32>
    %mul3A_96 = arith.constant 3.000000e-01 : f32
    %mul3A_97 = vector.broadcast %mul3A_96 : f32 to vector<64x80xf32>
    %mul3A_98 = arith.mulf %mul3A_97, %add3A_92 : vector<64x80xf32>
    %add3A_99 = arith.addf %mul3A_95, %mul3A_98 : vector<64x80xf32>
    %iota3A = tpu.iota {dimensions = array<i32: 1>} : vector<64x80xi32>
    %lt3A = arith.constant 65 : i32
    %lt3A_100 = vector.broadcast %lt3A : i32 to vector<64x80xi32>
    %lt3A_101 = arith.cmpi slt, %iota3A, %lt3A_100 : vector<64x80xi32>
    %add3A_102 = arith.constant 9.99999993E-9 : f32
    %add3A_103 = vector.broadcast %add3A_102 : f32 to vector<64x80xf32>
    %add3A_104 = arith.addf %div3A_22, %add3A_103 : vector<64x80xf32>
    %jit3A_105 = arith.constant 0.000000e+00 : f32
    %broadcast_in_dim3A_106 = vector.broadcast %jit3A_105 : f32 to vector<64x80xf32>
    %select_n3A_107 = arith.select %lt3A_101, %add3A_104, %broadcast_in_dim3A_106 : vector<64x80xi1>, vector<64x80xf32>
    %add3A_108 = arith.constant 9.99999993E-9 : f32
    %add3A_109 = vector.broadcast %add3A_108 : f32 to vector<64x80xf32>
    %add3A_110 = arith.addf %add3A_99, %add3A_109 : vector<64x80xf32>
    %jit3A_111 = arith.constant 0.000000e+00 : f32
    %broadcast_in_dim3A_112 = vector.broadcast %jit3A_111 : f32 to vector<64x80xf32>
    %select_n3A_113 = arith.select %lt3A_101, %add3A_110, %broadcast_in_dim3A_112 : vector<64x80xi1>, vector<64x80xf32>
    %reduce_sum3A = arith.constant dense<0.000000e+00> : vector<64xf32>
    %reduce_sum3A_114 = vector.multi_reduction <add>, %select_n3A_107, %reduce_sum3A [1] : vector<64x80xf32> to vector<64xf32>
    %broadcast_in_dim3A_115 = vector.shape_cast %reduce_sum3A_114 : vector<64xf32> to vector<64x1xf32>
    %div3A_116 = vector.broadcast %broadcast_in_dim3A_115 : vector<64x1xf32> to vector<64x80xf32>
    %div3A_117 = arith.divf %select_n3A_107, %div3A_116 : vector<64x80xf32>
    %reduce_sum3A_118 = arith.constant dense<0.000000e+00> : vector<64xf32>
    %reduce_sum3A_119 = vector.multi_reduction <add>, %select_n3A_113, %reduce_sum3A_118 [1] : vector<64x80xf32> to vector<64xf32>
    %broadcast_in_dim3A_120 = vector.shape_cast %reduce_sum3A_119 : vector<64xf32> to vector<64x1xf32>
    %div3A_121 = vector.broadcast %broadcast_in_dim3A_120 : vector<64x1xf32> to vector<64x80xf32>
    %div3A_122 = arith.divf %select_n3A_113, %div3A_121 : vector<64x80xf32>
    %div3A_123 = arith.divf %div3A_122, %div3A_117 : vector<64x80xf32>
    %jit3A_124 = arith.constant 1.000000e+00 : f32
    %broadcast_in_dim3A_125 = vector.broadcast %jit3A_124 : f32 to vector<64x80xf32>
    %select_n3A_126 = arith.select %lt3A_101, %div3A_123, %broadcast_in_dim3A_125 : vector<64x80xi1>, vector<64x80xf32>
    %log3A = math.log %select_n3A_126 : vector<64x80xf32>
    %mul3A_127 = arith.mulf %div3A_122, %log3A : vector<64x80xf32>
    %reduce_sum3A_128 = arith.constant dense<0.000000e+00> : vector<64xf32>
    %reduce_sum3A_129 = vector.multi_reduction <add>, %mul3A_127, %reduce_sum3A_128 [1] : vector<64x80xf32> to vector<64xf32>
    %swap3A = arith.constant 0 : index
    %swap3A_130 = vector.load %arg6[%swap3A] : memref<64xf32, #tpu.memory_space<vmem>>, vector<64xf32>
    tpu.vector_store %arg6[%swap3A], %reduce_sum3A_129 {strides = array<i32>} : memref<64xf32, #tpu.memory_space<vmem>>, vector<64xf32>,
    return
  }
}

</mosaic_0001>

<sc_bundles>
// kernel: kernel.4.cloned.1.call-start
scs
__scs_entry_jumppad:
0x0: {  	(pc) =	sbr.rel $0x88, $3  }
0x1: {  	(tag) =	ssettag $0x0;
	lr =	simm.s32 $0x1  }
0x2: {  	[smem:$0x3F9C] =	sst lr;
	_ =	strace $0xD0000000  }
0x3: {  	_ = 	snop  }
0x4: {  	_ = 	snop  }
0x5: {  	_ = 	snop  }
0x6: {  	_ = 	snop  }
0x7: {  	_ = 	snop  }
__scs_overlays_trampoline_lowered:
0x8: {  	[smem:$0x3FAB] =	sst s0  }
0x9: {  	[smem:$0x3FAC] =	sst s1  }
0xa: {  	[smem:$0x3FAD] =	sst s2  }
0xb: {  	[smem:$0x3FAE] =	sst s3  }
0xc: {  	[smem:$0x3FAF] =	sst s4  }
0xd: {  	[smem:$0x3FB0] =	sst s5  }
0xe: {  	[smem:$0x3FB1] =	sst s6  }
0xf: {  	[smem:$0x3FB2] =	sst s7  }
0x10: {  	[smem:$0x3FB3] =	sst s8  }
0x11: {  	[smem:$0x3FB4] =	sst s9;
	s0 =	simm.s32 @!p0 $0x0  }
0x12: {  	s1 =	sld [smem:$0x3F9A];
	s0 =	simm.s32 @p0 $0x1  }
0x13: {  	[smem:$0x3FB5] =	sst s0;
	s0 =	simm.s32 @!p1 $0x0  }
0x14: {  	s2 =	sld [smem:$0x3F99];
	s0 =	simm.s32 @p1 $0x1  }
0x15: {  	[smem:$0x3FB6] =	sst s0;
	s0 =	simm.s32 @!p2 $0x0  }
0x16: {  	s3 =	sld [smem:$0x3FDB];
	s0 =	simm.s32 @p2 $0x1  }
0x17: {  	s4 =	simm.s32 $0x1BF5;
	[smem:$0x3FB8] =	sst s0  }
0x18: {  	s0 =	sld [smem:$0x3F9B];
	_ =	swait.ge [sflag:s4], $0x0  }
0x19: {  	s7 =	sld [smem:$0x3F9C]  }
0x1a: {  	s8 =	sadd.s32 $0xFFFFE003, lr  }
0x1b: {  	s9 =	sadd.s32 $0xFFFFFEF7, lr;
	s5 =	simm.s32 $0xFFFFFFFF;
	p2 =	slt.u32 s8, $0xFFFFF086  }
0x1c: {  	p1 =	slt.u32 s9, $0xF7A;
	s5 =	simm.s32 @!p2 $0x0  }
0x1d: {  	s5 =	simm.s32 @p1 $0x1;
	p0 =	seq.s32 s7, s2  }
0x1e: {  	s7 =	smul.u32 @!p0 $0xF7A, s2;
	p2 =	seq.s32 @!p0 s5, $0x0  }
0x1f: {  	s9 =	smul.u32 $0xF7A, s1;
	s8 =	simm.s32 @!p0 $0x1BF5;
	p2 =	por !p2, p0  }
0x20: {  	[sflag:s8] =	ssyncset.s32 @!p0 $0xFFFFF086;
	s6 =	sadd.s32 @!p0 s3, s7;
	s7 =	simm.s32 @!p0 $0x108  }
0x21: {  	s3 =	sadd.s32 s3, s9;
	s6 =	sadd.s32 @!p0 $0x88, s6;
	s7 =	simm.s32 @p2 $0x1082  }
0x22: {  	[simem:s7], [sflag:s8] =	dma.local @!p0 [hbm:s6], $0xF7A  }
0x23: {  	s9 =	sor.u32 $0xD0000000, s2;
	s6 =	simm.s32 $0x108;
	_ =	swait.ge @!p0 [sflag:s8], $0x0  }
0x24: {  	s3 =	sadd.s32 $0x88, s3;
	s6 =	simm.s32 @!p1 $0x1082;
	[sflag:s4] =	ssyncset.s32 $0xFFFFF086  }
0x25: {  	[simem:s6], [sflag:s4] =	dma.local [hbm:s3], $0xF7A  }
0x26: {  	[smem:$0x3F9C] =	sst s1;
	(tag) =	ssettag s2;
	_ =	strace s9  }
0x27: {  	s1 =	sld [smem:$0x3FAC]  }
0x28: {  	s2 =	sld [smem:$0x3FAD]  }
0x29: {  	s4 =	sld [smem:$0x3FAF]  }
0x2a: {  	p0 =	seq.s32 s5, $0x0;
	s5 =	sld [smem:$0x3FB0]  }
0x2b: {  	s6 =	sld [smem:$0x3FB1]  }
0x2c: {  	s7 =	sld [smem:$0x3FB2]  }
0x2d: {  	s3 =	simm.s32 $0x108;
	s8 =	sld [smem:$0x3FB3]  }
0x2e: {  	s3 =	simm.s32 @!p0 $0x1082;
	s9 =	sld [smem:$0x3FB4]  }
0x2f: {  	lr =	sadd.s32 s0, s3;
	s0 =	sld [smem:$0x3FAB]  }
0x30: {  	s3 =	sld [smem:$0x3FAE]  }
0x31: {  	[smem:$0x3FB7] =	sst s10  }
0x32: {  	s10 =	sld [smem:$0x3FB5];
	_ =	sdelay $0x3  }
0x33: {  	p0 =	seq.s32 s10, $0x1;
	s10 =	sld [smem:$0x3FB7];
	_ =	sdelay $0x3  }
0x34: {  	[smem:$0x3FB7] =	sst s10  }
0x35: {  	s10 =	sld [smem:$0x3FB6];
	_ =	sdelay $0x3  }
0x36: {  	p1 =	seq.s32 s10, $0x1;
	s10 =	sld [smem:$0x3FB7];
	_ =	sdelay $0x3  }
0x37: {  	[smem:$0x3FB7] =	sst s10  }
0x38: {  	s10 =	sld [smem:$0x3FB8]  }
0x39: {  	_ = 	snop;
	(pc) =	sbr.ind lr, $3  }
0x3a: {  	_ = 	snop  }
0x3b: {  	_ = 	snop  }
0x3c: {  	p2 =	seq.s32 s10, $0x1;
	s10 =	sld [smem:$0x3FB7]  }
0x3d: {  	_ =	shalt  }
0x3e: {  	_ =	shalt  }
0x3f: {  	_ =	shalt  }
0x40: {  	_ =	shalt  }
0x41: {  	_ =	shalt  }
0x42: {  	_ =	shalt  }
0x43: {  	_ =	shalt  }
0x44: {  	_ =	shalt  }
0x45: {  	_ =	shalt  }
0x46: {  	_ =	shalt  }
0x47: {  	_ =	shalt  }
0x48: {  	_ =	shalt  }
0x49: {  	_ =	shalt  }
0x4a: {  	_ =	shalt  }
0x4b: {  	_ =	shalt  }
0x4c: {  	_ =	shalt  }
0x4d: {  	_ =	shalt  }
0x4e: {  	_ =	shalt  }
0x4f: {  	_ =	shalt  }
0x50: {  	_ =	shalt  }
0x51: {  	_ =	shalt  }
0x52: {  	_ =	shalt  }
0x53: {  	_ =	shalt  }
0x54: {  	_ =	shalt  }
0x55: {  	_ =	shalt  }
0x56: {  	_ =	shalt  }
0x57: {  	_ =	shalt  }
0x58: {  	_ =	shalt  }
0x59: {  	_ =	shalt  }
0x5a: {  	_ =	shalt  }
0x5b: {  	_ =	shalt  }
0x5c: {  	_ =	shalt  }
0x5d: {  	_ =	shalt  }
0x5e: {  	_ =	shalt  }
0x5f: {  	_ =	shalt  }
0x60: {  	_ =	shalt  }
0x61: {  	_ =	shalt  }
0x62: {  	_ =	shalt  }
0x63: {  	_ =	shalt  }
0x64: {  	_ =	shalt  }
0x65: {  	_ =	shalt  }
0x66: {  	_ =	shalt  }
0x67: {  	_ =	shalt  }
0x68: {  	_ =	shalt  }
0x69: {  	_ =	shalt  }
0x6a: {  	_ =	shalt  }
0x6b: {  	_ =	shalt  }
0x6c: {  	_ =	shalt  }
0x6d: {  	_ =	shalt  }
0x6e: {  	_ =	shalt  }
0x6f: {  	_ =	shalt  }
0x70: {  	_ =	shalt  }
0x71: {  	_ =	shalt  }
0x72: {  	_ =	shalt  }
0x73: {  	_ =	shalt  }
0x74: {  	_ =	shalt  }
0x75: {  	_ =	shalt  }
0x76: {  	_ =	shalt  }
0x77: {  	_ =	shalt  }
0x78: {  	_ =	shalt  }
0x79: {  	_ =	shalt  }
0x7a: {  	_ =	shalt  }
0x7b: {  	_ =	shalt  }
0x7c: {  	_ =	shalt  }
0x7d: {  	_ =	shalt  }
0x7e: {  	_ =	shalt  }
0x7f: {  	_ =	shalt  }
0x80: {  	_ =	shalt  }
0x81: {  	_ =	shalt  }
0x82: {  	_ =	shalt  }
0x83: {  	_ =	shalt  }
0x84: {  	_ =	shalt  }
0x85: {  	_ =	shalt  }
0x86: {  	_ =	shalt  }
0x87: {  	_ =	shalt  }
.Lfunc_end0:
.L_simem_size_0:
called_computation_lowered:
.L_overlay_start_0:
0x88: {  	s2 =	sld [smem:$0x3FD9]  }
0x89: {  	s3 =	sld [smem:$0x3FFE];
	_ =	sdelay $0x1  }
0x8a: {  	s1 =	srdreg.scid  }
0x8b: {  	s0 =	sand.u32 $0x1, s1  }
0x8c: {  	s16 =	sshll.u32 s0, $0xA;
	s2 =	sadd.s32 s3, s2  }
0x8d: {  	s2 =	sadd.s32 s2, s16  }
0x8e: {  	[smem:$0x3FC3] =	sst s2  }
0x8f: {  	_ = 	snop  }
0x90: {  	(tm) =	ssettm $0x1  }
0x91: {  	s17 =	sld [smem:$0x3FFB];
	_ =	sdelay $0x3  }
0x92: {  	_ =	strace s17  }
0x93: {  	s2 =	sld [smem:$0x3FFC];
	_ =	sdelay $0x3  }
0x94: {  	_ =	strace s2  }
0x95: {  	s2 =	sld [smem:$0x3FFD];
	_ =	sdelay $0x3  }
0x96: {  	_ =	strace s2  }
0x97: {  	_ =	strace $0x8FFFFFFF  }
0x98: {  	s18 =	sld [smem:$0x3FDB];
	_ =	sdelay $0x1  }
0x99: {  	s19 =	simm.s32 $_scs_section_size  }
0x9a: {  	s4 =	simm.s32 $_size__tile_overlayer_lowered;
	s5 =	simm.s32 $_tile_overlayer_lowered  }
0x9b: {  	s22 =	simm.s32 $0x1BFF;
	s21 =	sshll.u32 s5, $0x1;
	s2 =	sadd.s32 s19, s18  }
0x9c: {  	s6 =	simm.s32 $0x0;
	s20 =	sshll.u32 s4, $0x1;
	s4 =	sadd.s32 s21, s2  }
0x9d: {  	[timem:s6], [sflag:s22] =	dma.local [hbm:s4], s20  }
0x9e: {  	_ =	swait.ge [sflag:s22], s20  }
0x9f: {  	s3 =	ssub.s32 $0x0, s20;
	[sflag:s22] =	ssyncset.done $0x0  }
0xa0: {  	[sflag:s22] =	ssyncadd.s32 s3;
	_ =	sdelay $0x1  }
0xa1: {  	s23 =	simm.s32 $0x1B8B  }
0xa2: {  	_ =	swait.ge [sflag:s23], $0x1  }
0xa3: {  	[sflag:s23] =	ssyncset.done $0x0  }
0xa4: {  	s25 =	simm.s32 $0x1B8E;
	s24 =	sld [smem:$0x3FFE];
	[sflag:s23] =	ssyncadd.s32 $0xFFFFFFFF  }
0xa5: {  	s26 =	simm.s32 $execute0_lowered;
	[smem:$0x3FD2] =	sst s25  }
0xa6: {  	s4 =	sshll.u32 s26, $0x1;
	_ =	strace $0x80000046;
	[dreg:$0x1] =	wrdreg $0xFFFFFFFF  }
0xa7: {  	s28 =	simm.s32 $_size_execute0_lowered;
	s2 =	sadd.s32 s2, s4;
	[dreg:$0x0] =	wrdreg $0x0  }
0xa8: {  	s4 =	sshll.u32 s28, $0x1;
	[dreg:$0x2] =	wrdreg s2  }
0xa9: {  	[dreg:$0x3] =	wrdreg s4  }
0xaa: {  	[dreg:$0x4] =	wrdreg $0xC0  }
0xab: {  	_ =	task [dreg:s6], $0x5FFFF  }
0xac: {  	[dreg:$0x1] =	wrdreg $0xFFFFFFFF  }
0xad: {  	[dreg:$0x0] =	wrdreg $0x60  }
0xae: {  	[dreg:$0x2] =	wrdreg s24  }
0xaf: {  	[dreg:$0x3] =	wrdreg $0x9  }
0xb0: {  	_ =	task.clear_ibuf [dreg:s6], $0x4FFFF;
	_ =	strace $0x90000046  }
0xb1: {  	s29 =	simm.s32 $0x9;
	_ =	strace $0x80000048  }
0xb2: {  	_ =	swait.ge [sflag:s29], $0x1  }
0xb3: {  	[sflag:s29] =	ssyncadd.s32 $0xFFFFFFFF  }
0xb4: {  	_ =	strace $0x90000048  }
0xb5: {  	_ =	sfence  }
0xb6: {  	s30 =	sld [smem:$0x0];
	_ =	sdelay $0x2  }
0xb7: {  	s31 =	sshll.u32 s1, $0xD;
	s1 =	sshrl.u32 s1, $0x2  }
0xb8: {  	s3 =	sand.u32 $0x4000, s31;
	s1 =	sadd.s32 s1, s30  }
0xb9: {  	s0 =	sor.u32 s3, s0;
	s1 =	sshll.u32 s1, $0x11  }
0xba: {  	s0 =	sor.u32 s1, s0  }
0xbb: {  	s0 =	sadd.s32 $0x8F2B, s0  }
0xbc: {  	[sflag:s0] =	ssyncadd.remote.s32 $0x1  }
0xbd: {  	_ =	sfence.sel $0xFFFF  }
0xbe: {  	[dreg:$0x0] =	wrdreg $0xFFFFFFFF;
	(pc) =	sbr.abs _section_cstart, $3  }
0xbf: {  	[dreg:$0x1] =	wrdreg $0xFFFFFFFF  }
0xc0: {  	_ =	task.clear_ibuf [dreg:s6], $0x2FFFF;
	_ =	strace $0x9FFFFFFF  }
0xc1: {  	(tm) =	ssettm $0x7FFFFFFF  }
tec
execute0_lowered:
.L_overlay_start_1:
0x0: {  	(tag) =	ssettag $0x1  }
0x1: {  	s3 =	rddreg [dreg:$0x0]  }
0x2: {  	s0 =	rddreg [dreg:$0x1]  }
0x3: {  	s4 =	srdreg.scid;
	s1 =	stileid.u32  }
0x4: {  	s2 =	simm.s32 $0x0;
	s8 =	simm.s32 $0x1;
	s9 =	simm.s32 $0x1000  }
0x5: {  	s10 =	simm.s32 $0x1100;
	s11 =	simm.s32 $0x2;
	s12 =	simm.s32 $0x0  }
0x6: {  	s4 =	sand.u32 $0x1, s4;
	s5 =	sshll.u32 s1, $0x9;
	s7 =	sshrl.u32 s1, $0x1  }
0x7: {  	[smem:$0x7FF] =	sst s2;
	s6 =	sshll.u32 s4, $0x8;
	s5 =	sand.u32 $0x200, s5  }
0x8: {  	s30 =	sshll.u32 s7, $0xE;
	s7 =	sshll.u32 s7, $0xA;
	s5 =	sor.u32 s6, s5  }
0x9: {  	_ =	strace $0x80000047;
	s6 =	sor.u32 s30, s5;
	s5 =	sor.u32 s7, s5  }
0xa: {  	s4 =	ssub.s32 $0x2, s4;
	s6 =	sshrl.u32 s6, $0x3;
	s5 =	sshrl.u32 s5, $0x3  }
0xb: {  	s31 =	sshrl.u32 s4, $0x1;
	s6 =	sadd.s32 s6, s3;
	s5 =	sadd.s32 s5, s3  }
0xc: {  	s7 =	ssub.s32 s4, s31;
	s3 =	sadd.s32 $0x1400, s6;
	s4 =	sadd.s32 $0x5400, s5  }
0xd: {  	v0 =	vimm.f32 $0.0e+00;
	v1 =	vimm.f32 $1.000000000e+00;
	s5 =	sadd.s32 $0x5800, s5;
	s6 =	smax.u32 s7, $0x1;
	s7 =	simm.s32 $0x400  }
.LBB2_1:
0xe: {  	s13 =	simm.s32 $0x100  }
0xf: {  	[tilespmem:s2], [sflag:$0x1] =	stream.strided.gather [hbm4b:s3+s13], $0x1000, s7, s13, $0x38;
	[tilespmem:$0x1200] =	vst v63  }
0x10: {  	[tilespmem:$0x1000] =	vst v0  }
0x11: {  	[tilespmem:$0x1100] =	vst v0  }
0x12: {  	[tilespmem:$0x1010] =	vst v0  }
0x13: {  	[tilespmem:$0x1110] =	vst v0  }
0x14: {  	[tilespmem:$0x1020] =	vst v0  }
0x15: {  	[tilespmem:$0x1120] =	vst v0  }
0x16: {  	[tilespmem:$0x1030] =	vst v0  }
0x17: {  	[tilespmem:$0x1130] =	vst v0  }
0x18: {  	[tilespmem:$0x1040] =	vst v0  }
0x19: {  	[tilespmem:$0x1140] =	vst v0  }
0x1a: {  	[tilespmem:$0x1080] =	vst v0  }
0x1b: {  	[tilespmem:$0x1180] =	vst v0  }
0x1c: {  	[tilespmem:$0x1090] =	vst v0  }
0x1d: {  	[tilespmem:$0x1190] =	vst v0  }
0x1e: {  	[tilespmem:$0x10A0] =	vst v0  }
0x1f: {  	[tilespmem:$0x11A0] =	vst v0  }
0x20: {  	[tilespmem:$0x10B0] =	vst v0  }
0x21: {  	[tilespmem:$0x11B0] =	vst v0  }
0x22: {  	[tilespmem:$0x10C0] =	vst v0  }
0x23: {  	[tilespmem:$0x11C0] =	vst v0  }
0x24: {  	_ =	swait.ge [sflag:s8], $0x1000  }
0x25: {  	[sflag:s8] =	ssyncset.done $0x0  }
0x26: {  	s14 =	simm.s32 $0xFFFFFFF0;
	[sflag:s8] =	ssyncadd.s32 $0xFFFFF000  }
.LBB2_2:
0x27: {  	v2 =	vld [tilespmem:s13+$0xFFFFFF00];
	_ =	sdelay $0x3  }
0x28: {  	v3 =	vld [tilespmem:s13+$0xFFFFFF10]  }
0x29: {  	v4 =	vand.u32 $0xFF, v2;
	vm0 =	vgt.s32 v2, $0xFFFF  }
0x2a: {  	v5 =	vshrl.u32 v2, $0x8;
	v2 =	vmin.u32 v4, $0x4F  }
0x2b: {  	v18 =	vld [tilespmem:s13+$0xFFFFFF20];
	v17 =	vand.u32 $0xFF, v5  }
0x2c: {  	v4 =	vmin.u32 v17, $0x4F  }
0x2d: {  	v6 =	vand.u32 $0xFF, v3;
	v7 =	vshrl.u32 v3, $0x8;
	vm1 =	vgt.s32 v3, $0xFFFF  }
0x2e: {  	v23 =	vld [tilespmem:s13+$0xFFFFFF30];
	v3 =	vmin.u32 v6, $0x4F;
	v19 =	vand.u32 $0xFF, v7  }
0x2f: {  	[tilespmem:v2+s9+$0x0] =	vst.idx.add.f32.msk vm0, v1;
	v2 =	vmin.u32 v19, $0x4F  }
0x30: {  	v9 =	vld [tilespmem:s13+$0xFFFFFF40];
	v20 =	vand.u32 $0xFF, v18;
	v21 =	vshrl.u32 v18, $0x8;
	vm11 =	vgt.s32 v18, $0xFFFF  }
0x31: {  	v22 =	vand.u32 $0xFF, v21;
	[tilespmem:v4+s10+$0x0] =	vst.idx.add.f32.msk vm0, v1;
	v4 =	vmin.u32 v20, $0x4F  }
0x32: {  	v5 =	vmin.u32 v22, $0x4F;
	v24 =	vld [tilespmem:s13+$0xFFFFFF80]  }
0x33: {  	[tilespmem:v3+s9+$0x0] =	vst.idx.add.f32.msk vm1, v1  }
0x34: {  	[tilespmem:v2+s10+$0x0] =	vst.idx.add.f32.msk vm1, v1  }
0x35: {  	v2 =	vld [tilespmem:s13+$0xFFFFFF90]  }
0x36: {  	v25 =	vshrl.u32 v23, $0x8;
	vm12 =	vgt.s32 v23, $0xFFFF;
	v3 =	vand.u32 $0xFF, v23;
	[tilespmem:v4+s9+$0x0] =	vst.idx.add.f32.msk vm11, v1  }
0x37: {  	v3 =	vmin.u32 v3, $0x4F;
	v4 =	vand.u32 $0xFF, v25;
	v26 =	vshrl.u32 v24, $0x8;
	[tilespmem:v5+s10+$0x0] =	vst.idx.add.f32.msk vm11, v1  }
0x38: {  	v27 =	vand.u32 $0xFF, v24;
	v4 =	vmin.u32 v4, $0x4F;
	v6 =	vand.u32 $0xFF, v26;
	v8 =	vld [tilespmem:s13+$0xFFFFFFA0]  }
0x39: {  	vm2 =	vgt.s32 v24, $0xFFFF;
	v5 =	vmin.u32 v27, $0x4F;
	v6 =	vmin.u32 v6, $0x4F  }
0x3a: {  	v33 =	vld [tilespmem:s13+$0xFFFFFF50];
	v5 =	vor.u32 $0x80, v5;
	v6 =	vor.u32 $0x80, v6;
	v28 =	vand.u32 $0xFF, v2  }
0x3b: {  	v38 =	vld [tilespmem:s13+$0xFFFFFF60];
	v10 =	vshrl.u32 v2, $0x8;
	vm3 =	vgt.s32 v2, $0xFFFF;
	v7 =	vmin.u32 v28, $0x4F  }
0x3c: {  	[tilespmem:v3+s9+$0x0] =	vst.idx.add.f32.msk vm12, v1;
	v2 =	vand.u32 $0xFF, v10;
	v7 =	vor.u32 $0x80, v7  }
0x3d: {  	v29 =	vand.u32 $0xFF, v9;
	[tilespmem:v4+s10+$0x0] =	vst.idx.add.f32.msk vm12, v1;
	v2 =	vmin.u32 v2, $0x4F;
	v3 =	vand.u32 $0xFF, v8  }
0x3e: {  	vm13 =	vgt.s32 v8, $0xFFFF;
	v4 =	vld [tilespmem:s13+$0xFFFFFFB0];
	v2 =	vor.u32 $0x80, v2;
	v3 =	vmin.u32 v3, $0x4F  }
0x3f: {  	vm14 =	vgt.s32 v9, $0xFFFF;
	v31 =	vshrl.u32 v9, $0x8;
	[tilespmem:v5+s9+$0x0] =	vst.idx.add.f32.msk vm2, v1;
	v3 =	vor.u32 $0x80, v3  }
0x40: {  	v32 =	vand.u32 $0xFF, v31;
	v30 =	vshrl.u32 v8, $0x8;
	v5 =	vmin.u32 v29, $0x4F;
	[tilespmem:v6+s10+$0x0] =	vst.idx.add.f32.msk vm2, v1  }
0x41: {  	v6 =	vand.u32 $0xFF, v30;
	[tilespmem:v7+s9+$0x0] =	vst.idx.add.f32.msk vm3, v1;
	v7 =	vmin.u32 v32, $0x4F  }
0x42: {  	v43 =	vld [tilespmem:s13+$0xFFFFFF70];
	v6 =	vmin.u32 v6, $0x4F  }
0x43: {  	v34 =	vand.u32 $0xFF, v4;
	v35 =	vshrl.u32 v4, $0x8;
	vm15 =	vgt.s32 v4, $0xFFFF;
	[tilespmem:v2+s10+$0x0] =	vst.idx.add.f32.msk vm3, v1  }
0x44: {  	v2 =	vor.u32 $0x80, v6;
	v36 =	vand.u32 $0xFF, v35;
	[tilespmem:v3+s9+$0x0] =	vst.idx.add.f32.msk vm13, v1;
	v3 =	vmin.u32 v34, $0x4F  }
0x45: {  	[tilespmem:v5+s9+$0x0] =	vst.idx.add.f32.msk vm14, v1;
	v37 =	vmin.u32 v36, $0x4F;
	v3 =	vor.u32 $0x80, v3  }
0x46: {  	v4 =	vor.u32 $0x80, v37;
	[tilespmem:v7+s10+$0x0] =	vst.idx.add.f32.msk vm14, v1  }
0x47: {  	v39 =	vand.u32 $0xFF, v33;
	v40 =	vshrl.u32 v33, $0x8;
	vm4 =	vgt.s32 v33, $0xFFFF;
	v41 =	vld [tilespmem:s13+$0xFFFFFFC0]  }
0x48: {  	v48 =	vld [tilespmem:s13+$0x0];
	v6 =	vmin.u32 v39, $0x4F;
	v7 =	vand.u32 $0xFF, v40  }
0x49: {  	[tilespmem:v2+s10+$0x0] =	vst.idx.add.f32.msk vm13, v1;
	v2 =	vmin.u32 v7, $0x4F  }
0x4a: {  	v42 =	vshrl.u32 v38, $0x8;
	vm5 =	vgt.s32 v38, $0xFFFF;
	[tilespmem:v3+s9+$0x0] =	vst.idx.add.f32.msk vm15, v1;
	v3 =	vand.u32 $0xFF, v38  }
0x4b: {  	[tilespmem:v4+s10+$0x0] =	vst.idx.add.f32.msk vm15, v1;
	v3 =	vmin.u32 v3, $0x4F;
	v4 =	vand.u32 $0xFF, v42  }
0x4c: {  	v58 =	vld [tilespmem:s13+$0x10];
	v4 =	vmin.u32 v4, $0x4F;
	v44 =	vand.u32 $0xFF, v41;
	v45 =	vshrl.u32 v41, $0x8  }
0x4d: {  	[tilespmem:v6+s9+$0x0] =	vst.idx.add.f32.msk vm4, v1;
	vm6 =	vgt.s32 v41, $0xFFFF;
	v46 =	vmin.u32 v44, $0x4F;
	v47 =	vand.u32 $0xFF, v45  }
0x4e: {  	[tilespmem:v2+s10+$0x0] =	vst.idx.add.f32.msk vm4, v1;
	v2 =	vmin.u32 v47, $0x4F;
	v6 =	vor.u32 $0x80, v46  }
0x4f: {  	v49 =	vld [tilespmem:s13+$0xFFFFFFD0];
	v2 =	vor.u32 $0x80, v2  }
0x50: {  	v50 =	vshrl.u32 v43, $0x8;
	vm7 =	vgt.s32 v43, $0xFFFF;
	[tilespmem:v3+s9+$0x0] =	vst.idx.add.f32.msk vm5, v1;
	v3 =	vand.u32 $0xFF, v43  }
0x51: {  	v51 =	vand.u32 $0xFF, v50;
	[tilespmem:v4+s10+$0x0] =	vst.idx.add.f32.msk vm5, v1;
	v3 =	vmin.u32 v3, $0x4F  }
0x52: {  	v4 =	vmin.u32 v51, $0x4F;
	v52 =	vld [tilespmem:s13+$0xFFFFFFE0]  }
0x53: {  	v53 =	vand.u32 $0xFF, v48;
	v54 =	vshrl.u32 v48, $0x8;
	vm8 =	vgt.s32 v48, $0xFFFF;
	[tilespmem:v6+s9+$0x0] =	vst.idx.add.f32.msk vm6, v1  }
0x54: {  	v55 =	vand.u32 $0xFF, v54;
	[tilespmem:v2+s10+$0x0] =	vst.idx.add.f32.msk vm6, v1;
	v2 =	vmin.u32 v53, $0x4F  }
0x55: {  	v14 =	vld [tilespmem:s13+$0x20];
	v56 =	vand.u32 $0xFF, v49;
	v57 =	vshrl.u32 v49, $0x8;
	v6 =	vmin.u32 v55, $0x4F  }
0x56: {  	vm9 =	vgt.s32 v49, $0xFFFF;
	v7 =	vmin.u32 v56, $0x4F;
	v9 =	vand.u32 $0xFF, v57;
	[tilespmem:v3+s9+$0x0] =	vst.idx.add.f32.msk vm7, v1  }
0x57: {  	v7 =	vor.u32 $0x80, v7;
	v3 =	vmin.u32 v9, $0x4F;
	[tilespmem:v4+s10+$0x0] =	vst.idx.add.f32.msk vm7, v1  }
0x58: {  	v62 =	vshrl.u32 v58, $0x8;
	v59 =	vand.u32 $0xFF, v52;
	v3 =	vor.u32 $0x80, v3;
	v61 =	vld [tilespmem:s13+$0xFFFFFFF0]  }
0x59: {  	vm11 =	vgt.s32 v58, $0xFFFF;
	vm10 =	vgt.s32 v52, $0xFFFF;
	v60 =	vmin.u32 v59, $0x4F;
	[tilespmem:v2+s9+$0x0] =	vst.idx.add.f32.msk vm8, v1  }
0x5a: {  	v5 =	vshrl.u32 v52, $0x8;
	v4 =	vor.u32 $0x80, v60;
	v2 =	vand.u32 $0xFF, v58;
	[tilespmem:v6+s10+$0x0] =	vst.idx.add.f32.msk vm8, v1  }
0x5b: {  	v5 =	vand.u32 $0xFF, v5;
	v2 =	vmin.u32 v2, $0x4F;
	v6 =	vand.u32 $0xFF, v62;
	v63 =	vld [tilespmem:s13+$0x80]  }
0x5c: {  	v5 =	vmin.u32 v5, $0x4F;
	[tilespmem:v7+s9+$0x0] =	vst.idx.add.f32.msk vm9, v1;
	v6 =	vmin.u32 v6, $0x4F  }
0x5d: {  	[tilespmem:v3+s10+$0x0] =	vst.idx.add.f32.msk vm9, v1;
	v3 =	vor.u32 $0x80, v5;
	v10 =	vand.u32 $0xFF, v61  }
0x5e: {  	v22 =	vld [tilespmem:s13+$0x30];
	vm12 =	vgt.s32 v61, $0xFFFF;
	v12 =	vmin.u32 v10, $0x4F  }
0x5f: {  	[tilespmem:v4+s9+$0x0] =	vst.idx.add.f32.msk vm10, v1;
	v4 =	vor.u32 $0x80, v12  }
0x60: {  	[tilespmem:v2+s9+$0x0] =	vst.idx.add.f32.msk vm11, v1;
	v15 =	vand.u32 $0xFF, v63;
	v16 =	vshrl.u32 v63, $0x8  }
0x61: {  	vm13 =	vgt.s32 v63, $0xFFFF;
	[tilespmem:v6+s10+$0x0] =	vst.idx.add.f32.msk vm11, v1;
	v2 =	vmin.u32 v15, $0x4F;
	v17 =	vand.u32 $0xFF, v16  }
0x62: {  	v20 =	vand.u32 $0xFF, v14;
	[tilespmem:v3+s10+$0x0] =	vst.idx.add.f32.msk vm10, v1;
	v18 =	vmin.u32 v17, $0x4F;
	v2 =	vor.u32 $0x80, v2  }
0x63: {  	vm14 =	vgt.s32 v14, $0xFFFF;
	v11 =	vshrl.u32 v61, $0x8;
	v19 =	vld [tilespmem:s13+$0x90];
	v3 =	vor.u32 $0x80, v18  }
0x64: {  	v13 =	vand.u32 $0xFF, v11;
	[tilespmem:v4+s9+$0x0] =	vst.idx.add.f32.msk vm12, v1;
	v4 =	vmin.u32 v20, $0x4F  }
0x65: {  	v5 =	vmin.u32 v13, $0x4F  }
0x66: {  	v28 =	vld [tilespmem:s13+$0x50];
	v5 =	vor.u32 $0x80, v5  }
0x67: {  	v25 =	vshrl.u32 v22, $0x8;
	[tilespmem:v2+s9+$0x0] =	vst.idx.add.f32.msk vm13, v1  }
0x68: {  	v24 =	vand.u32 $0xFF, v22;
	vm6 =	vgt.s32 v22, $0xFFFF;
	v2 =	vand.u32 $0xFF, v19;
	[tilespmem:v3+s10+$0x0] =	vst.idx.add.f32.msk vm13, v1  }
0x69: {  	vm15 =	vgt.s32 v19, $0xFFFF;
	v2 =	vmin.u32 v2, $0x4F;
	[tilespmem:v4+s9+$0x0] =	vst.idx.add.f32.msk vm14, v1;
	v4 =	vmin.u32 v24, $0x4F  }
0x6a: {  	v26 =	vand.u32 $0xFF, v25;
	v3 =	vld [tilespmem:s13+$0x40];
	v2 =	vor.u32 $0x80, v2  }
0x6b: {  	v21 =	vshrl.u32 v14, $0x8;
	[tilespmem:v5+s10+$0x0] =	vst.idx.add.f32.msk vm12, v1;
	v5 =	vmin.u32 v26, $0x4F  }
0x6c: {  	v6 =	vand.u32 $0xFF, v21  }
0x6d: {  	v37 =	vld [tilespmem:s13+$0x70];
	v23 =	vmin.u32 v6, $0x4F  }
0x6e: {  	v35 =	vshrl.u32 v28, $0x8;
	v34 =	vand.u32 $0xFF, v28;
	v27 =	vshrl.u32 v19, $0x8;
	[tilespmem:v4+s9+$0x0] =	vst.idx.add.f32.msk vm6, v1  }
0x6f: {  	vm8 =	vgt.s32 v28, $0xFFFF;
	v6 =	vand.u32 $0xFF, v27;
	v30 =	vshrl.u32 v3, $0x8;
	[tilespmem:v2+s9+$0x0] =	vst.idx.add.f32.msk vm15, v1  }
0x70: {  	vm7 =	vgt.s32 v3, $0xFFFF;
	v2 =	vand.u32 $0xFF, v3;
	[tilespmem:v5+s10+$0x0] =	vst.idx.add.f32.msk vm6, v1;
	v5 =	vmin.u32 v34, $0x4F  }
0x71: {  	v32 =	vld [tilespmem:s13+$0x60];
	v3 =	vmin.u32 v6, $0x4F;
	v6 =	vand.u32 $0xFF, v35;
	v2 =	vmin.u32 v2, $0x4F  }
0x72: {  	[tilespmem:v23+s10+$0x0] =	vst.idx.add.f32.msk vm14, v1;
	v31 =	vand.u32 $0xFF, v30;
	v6 =	vmin.u32 v6, $0x4F  }
0x73: {  	v29 =	vld [tilespmem:s13+$0xA0];
	v33 =	vmin.u32 v31, $0x4F  }
0x74: {  	v12 =	vld [tilespmem:s13+$0xB0]  }
0x75: {  	v42 =	vshrl.u32 v37, $0x8;
	v41 =	vand.u32 $0xFF, v37;
	vm4 =	vgt.s32 v37, $0xFFFF;
	[tilespmem:v5+s9+$0x0] =	vst.idx.add.f32.msk vm8, v1  }
0x76: {  	v43 =	vand.u32 $0xFF, v42;
	vm9 =	vgt.s32 v32, $0xFFFF;
	v5 =	vmin.u32 v41, $0x4F;
	[tilespmem:v2+s9+$0x0] =	vst.idx.add.f32.msk vm7, v1  }
0x77: {  	v13 =	vshrl.u32 v32, $0x8;
	v2 =	vand.u32 $0xFF, v32;
	[tilespmem:v6+s10+$0x0] =	vst.idx.add.f32.msk vm8, v1;
	v6 =	vmin.u32 v43, $0x4F  }
0x78: {  	v39 =	vand.u32 $0xFF, v13;
	[tilespmem:v33+s10+$0x0] =	vst.idx.add.f32.msk vm7, v1;
	v2 =	vmin.u32 v2, $0x4F  }
0x79: {  	v4 =	vmin.u32 v39, $0x4F;
	v11 =	vshrl.u32 v29, $0x8;
	v46 =	vld [tilespmem:s13+$0xD0]  }
0x7a: {  	v3 =	vor.u32 $0x80, v3;
	v36 =	vand.u32 $0xFF, v29;
	v38 =	vand.u32 $0xFF, v11;
	v40 =	vld [tilespmem:s13+$0xC0]  }
0x7b: {  	vm10 =	vgt.s32 v29, $0xFFFF;
	v7 =	vmin.u32 v36, $0x4F;
	v9 =	vmin.u32 v38, $0x4F;
	[tilespmem:v5+s9+$0x0] =	vst.idx.add.f32.msk vm4, v1  }
0x7c: {  	v7 =	vor.u32 $0x80, v7;
	v44 =	vand.u32 $0xFF, v12;
	v45 =	vshrl.u32 v12, $0x8;
	[tilespmem:v6+s10+$0x0] =	vst.idx.add.f32.msk vm4, v1  }
0x7d: {  	v9 =	vor.u32 $0x80, v9;
	v10 =	vmin.u32 v44, $0x4F;
	v11 =	vand.u32 $0xFF, v45;
	[tilespmem:v2+s9+$0x0] =	vst.idx.add.f32.msk vm9, v1  }
0x7e: {  	vm11 =	vgt.s32 v12, $0xFFFF;
	v48 =	vor.u32 $0x80, v10;
	v2 =	vmin.u32 v11, $0x4F;
	v55 =	vld [tilespmem:s13+$0xF0]  }
0x7f: {  	v53 =	vshrl.u32 v46, $0x8;
	v54 =	vand.u32 $0xFF, v46;
	vm13 =	vgt.s32 v46, $0xFFFF;
	[tilespmem:v4+s10+$0x0] =	vst.idx.add.f32.msk vm9, v1  }
0x80: {  	v47 =	vshrl.u32 v40, $0x8;
	v49 =	vand.u32 $0xFF, v40;
	v2 =	vor.u32 $0x80, v2;
	v50 =	vld [tilespmem:s13+$0xE0]  }
0x81: {  	vm12 =	vgt.s32 v40, $0xFFFF;
	v8 =	vand.u32 $0xFF, v53;
	v6 =	vmin.u32 v54, $0x4F  }
0x82: {  	v11 =	vand.u32 $0xFF, v47;
	v51 =	vmin.u32 v49, $0x4F;
	v8 =	vmin.u32 v8, $0x4F  }
0x83: {  	[tilespmem:v3+s10+$0x0] =	vst.idx.add.f32.msk vm15, v1;
	v6 =	vor.u32 $0x80, v6;
	v52 =	vmin.u32 v11, $0x4F;
	v5 =	vor.u32 $0x80, v51  }
0x84: {  	[tilespmem:v48+s9+$0x0] =	vst.idx.add.f32.msk vm11, v1;
	v59 =	vor.u32 $0x80, v8;
	v3 =	vor.u32 $0x80, v52;
	vm15 =	vgt.s32 v55, $0xFFFF  }
0x85: {  	v61 =	vshrl.u32 v55, $0x8;
	[tilespmem:v2+s10+$0x0] =	vst.idx.add.f32.msk vm11, v1;
	v2 =	vand.u32 $0xFF, v55;
	v56 =	vand.u32 $0xFF, v50  }
0x86: {  	[tilespmem:v7+s9+$0x0] =	vst.idx.add.f32.msk vm10, v1;
	vm14 =	vgt.s32 v50, $0xFFFF;
	v57 =	vshrl.u32 v50, $0x8;
	v2 =	vmin.u32 v2, $0x4F  }
0x87: {  	[tilespmem:v9+s10+$0x0] =	vst.idx.add.f32.msk vm10, v1;
	v7 =	vmin.u32 v56, $0x4F;
	v58 =	vand.u32 $0xFF, v57;
	v2 =	vor.u32 $0x80, v2  }
0x88: {  	v63 =	vand.u32 $0xFF, v61;
	[tilespmem:v5+s9+$0x0] =	vst.idx.add.f32.msk vm12, v1;
	v60 =	vmin.u32 v58, $0x4F;
	v7 =	vor.u32 $0x80, v7  }
0x89: {  	s14 =	sadd.s32 $0x10, s14;
	[tilespmem:v3+s10+$0x0] =	vst.idx.add.f32.msk vm12, v1;
	v3 =	vmin.u32 v63, $0x4F;
	v62 =	vor.u32 $0x80, v60  }
0x8a: {  	p0 =	slt.u32 s14, $0x70;
	[tilespmem:v6+s9+$0x0] =	vst.idx.add.f32.msk vm13, v1;
	v3 =	vor.u32 $0x80, v3  }
.Ltmp0:
0x8b: {  	[tilespmem:v59+s10+$0x0] =	vst.idx.add.f32.msk vm13, v1;
	(pc) =	sbr.rel @p0 .LBB2_2-.Ltmp0, $4  }
0x8c: {  	[tilespmem:v2+s9+$0x0] =	vst.idx.add.f32.msk vm15, v1  }
0x8d: {  	[tilespmem:v7+s9+$0x0] =	vst.idx.add.f32.msk vm14, v1  }
0x8e: {  	[tilespmem:v62+s10+$0x0] =	vst.idx.add.f32.msk vm14, v1  }
0x8f: {  	s13 =	sadd.s32 $0x200, s13;
	[tilespmem:v3+s10+$0x0] =	vst.idx.add.f32.msk vm15, v1  }
0x90: {  	[hbm4b:s4+s2] =	stream.linear.scatter [tilespmem:s9], [sflag:$0x2], $0x100, $0x38;
	[tilespmem:$0x1200] =	vst v63  }
0x91: {  	s12 =	sadd.s32 $0x1, s12  }
0x92: {  	[hbm4b:s5+s2] =	stream.linear.scatter [tilespmem:s10], [sflag:$0x2], $0x100, $0x38;
	[tilespmem:$0x1200] =	vst v63  }
0x93: {  	p0 =	sne.s32 s12, s6;
	_ =	swait.ge [sflag:s11], $0x100  }
.Ltmp1:
0x94: {  	[sflag:s11] =	ssyncset.done $0x0;
	(pc) =	sbr.rel @p0 .LBB2_1-.Ltmp1, $4  }
0x95: {  	[sflag:s11] =	ssyncadd.s32 $0xFFFFFF00  }
0x96: {  	_ =	swait.ge [sflag:s11], $0x100  }
0x97: {  	[sflag:s11] =	ssyncset.done $0x0  }
0x98: {  	[sflag:s11] =	ssyncadd.s32 $0xFFFFFF00  }
0x99: {  	_ =	sfence.sel $0x180000  }
0x9a: {  	[bflag:$0x0] =	sbarrier.arrive $0xFFFF  }
0x9b: {  	p0 =	sne.s32 s1, $0x0;
	_ =	strace $0x90000047  }
0x9c: {  	s0 =	sadd.s32 @!p0 $0x100000, s0;
	[bflag:$0x2] =	sbarrier.arrive $0xFFFF  }
0x9d: {  	[sflag:s0] =	ssyncadd.tile.s32 @!p0 $0x1;
	_ =	shalt  }
.Lfunc_end2:
_tile_overlayer_lowered:
.L_overlay_start_2:
0x9e: {  	(tag) =	ssettag $0x2  }
0x9f: {  	s0 =	rddreg [dreg:$0x0];
	s2 =	stileid.u32  }
0xa0: {  	s1 =	rddreg [dreg:$0x1];
	p0 =	sne.s32 s2, $0x0  }
0xa1: {  	s3 =	rddreg [dreg:$0x2];
	[bflag:$0x3] =	sbarrier.arrive $0xFFFF;
	s2 =	simm.s32 @!p0 $0x1C03  }
0xa2: {  	[timem:s3], [sflag:s2] =	dma.local @!p0 [hbm:s0], s1  }
0xa3: {  	s0 =	simm.s32 @!p0 $0x3  }
0xa4: {  	_ =	swait.ge @!p0 [sflag:s0], s1  }
0xa5: {  	s1 =	ssub.s32 @!p0 $0x0, s1;
	[sflag:s0] =	ssyncset.done @!p0 $0x0  }
0xa6: {  	[sflag:s0] =	ssyncadd.s32 @!p0 s1  }
0xa7: {  	[bflag:$0x3] =	sbarrier.arrive $0xFFFF  }
0xa8: {  	_ =	shalt  }

</sc_bundles>
